<compile_context>
chip_gen: v7x
topology: tpu7x:2x2x1
jax: 0.10.2.dev20260603
libtpu: 0.0.44.dev20260713+nightly
codegen_flags: <defaults>
</compile_context>

<pallas_src>
import functools

import jax
import jax.numpy as jnp
from jax import lax
from jax.experimental import pallas as pl
from jax.experimental.pallas import tpu as pltpu
from jax.experimental.pallas import tpu_sc as plsc

_NCLS = 1000
_NB = 1024
_ROWS_PER_BLK = 1024
_NW = 16
_L = 16


def _row_stats(yh_ref, y_ref, loss_ref, cls_ref):
    yh = yh_ref[...]
    yv = y_ref[...]
    m = jnp.max(yh, axis=1, keepdims=True)
    e = jnp.exp(yh - m)
    lse = jnp.log(jnp.sum(e, axis=1, keepdims=True)) + m
    s_yy = jnp.sum(yv * yh, axis=1, keepdims=True)
    s_y = jnp.sum(yv, axis=1, keepdims=True)
    loss_ref[...] = (s_y * lse - s_yy)[:, 0]
    mx = jnp.max(yv, axis=1, keepdims=True)
    ids = lax.broadcasted_iota(jnp.int32, yv.shape, 1)
    cls_ref[...] = jnp.min(jnp.where(yv == mx, ids, jnp.int32(2**30)), axis=1)


def _make_segment_mean(batch):
    bpw = _NB // _NW
    unroll = 4
    mesh = plsc.VectorSubcoreMesh(
        core_axis_name="c", subcore_axis_name="s", num_cores=1)

    @functools.partial(
        pl.kernel,
        mesh=mesh,
        compiler_params=pltpu.CompilerParams(needs_layout_passes=False),
        out_type=jax.ShapeDtypeStruct((_NB,), jnp.float32),
        scratch_types=[
            pltpu.VMEM((batch,), jnp.float32),
            pltpu.VMEM((batch,), jnp.int32),
            pltpu.VMEM((bpw,), jnp.float32),
            pltpu.VMEM((bpw,), jnp.float32),
            pltpu.VMEM((bpw,), jnp.float32),
        ],
    )
    def seg(loss_hbm, cls_hbm, out_hbm, loss_v, cls_v, sums_v, cnts_v, res_v):
        sid = lax.axis_index("s")
        lo = sid * bpw
        pltpu.sync_copy(loss_hbm, loss_v)
        pltpu.sync_copy(cls_hbm, cls_v)
        zero = jnp.zeros((_L,), jnp.float32)
        ones = jnp.full((_L,), 1.0, jnp.float32)
        for q in range(bpw // _L):
            sums_v[pl.ds(q * _L, _L)] = zero
            cnts_v[pl.ds(q * _L, _L)] = zero

        def body(j, carry):
            base = j * (_L * unroll)
            for k in range(unroll):
                cv = cls_v[pl.ds(base + k * _L, _L)]
                lv = loss_v[pl.ds(base + k * _L, _L)]
                rel = cv - lo
                mask = (rel >= 0) & (rel < bpw)
                idx = jnp.clip(rel, 0, bpw - 1)
                plsc.addupdate_scatter(sums_v, [idx], lv, mask=mask)
                plsc.addupdate_scatter(cnts_v, [idx], ones, mask=mask)
            return carry

        lax.fori_loop(0, batch // (_L * unroll), body, 0)
        for q in range(bpw // _L):
            sl = pl.ds(q * _L, _L)
            res_v[sl] = sums_v[sl] / cnts_v[sl]
        pltpu.sync_copy(res_v, out_hbm.at[pl.ds(lo, bpw)])

    return seg


def kernel(y_hat, y):
    b, c = y_hat.shape
    r = _ROWS_PER_BLK
    nblk = b // r
    loss, cls = pl.pallas_call(
        _row_stats,
        grid=(nblk,),
        in_specs=[
            pl.BlockSpec((r, c), lambda i: (i, 0)),
            pl.BlockSpec((r, c), lambda i: (i, 0)),
        ],
        out_specs=[
            pl.BlockSpec((r,), lambda i: (i,)),
            pl.BlockSpec((r,), lambda i: (i,)),
        ],
        out_shape=[
            jax.ShapeDtypeStruct((b,), jnp.float32),
            jax.ShapeDtypeStruct((b,), jnp.int32),
        ],
    )(y_hat, y)
    out = _make_segment_mean(b)(loss, cls)
    return out[:c]

# --- scband reference (transcript-rebuilt; emitter-appended) ---
"""Pipeline reference for scband-class-performance-loss-31370441130518 (READ-ONLY COPY).

The authoritative reference and input builder live on the scoring server;
editing this copy changes nothing except your own understanding.
"""

import jax, jax.numpy as jnp
import numpy as np

N_CLASSES = 1000

def setup_inputs(seed: int = 0) -> dict:
    key = jax.random.key(seed)
    k1, k2 = jax.random.split(key)
    y_hat = jax.random.normal(k1, (16384, N_CLASSES), dtype=jnp.float32)
    y = jax.random.uniform(k2, (16384, N_CLASSES), dtype=jnp.float32)
    return {"y_hat": y_hat, "y": y}

def reference(y_hat, y):
    # loss_fn = CrossEntropyLoss(reduction='none') with soft (probability) targets:
    # per-sample loss = -sum(y * log_softmax(y_hat), dim=1)
    logp = jax.nn.log_softmax(y_hat, axis=1)
    loss = -jnp.sum(y * logp, axis=1)  # [B]
    y_cls = jnp.argmax(y, axis=1)      # [B] int
    # per-class mean of loss; empty classes yield 0/0 = nan, matching
    # torch.mean(loss[mask]) over an empty mask followed by nan_to=nan (no-op)
    sums = jax.ops.segment_sum(loss, y_cls, num_segments=N_CLASSES)
    counts = jax.ops.segment_sum(jnp.ones_like(loss), y_cls, num_segments=N_CLASSES)
    out = sums / counts
    return out

if __name__ == "__main__":
    import jax
    _d = setup_inputs()
    print(jax.jit(kernel)(*tuple(_d.values())))

</pallas_src>

<mosaic_0001>
#map = affine_map<(d0, d1) -> (0)>
module attributes {stable_mosaic.version = 14 : i64} {
  func.func @seg(%arg0: i32, %arg1: i32, %arg2: memref<16384xf32, #tpu.memory_space<hbm>>, %arg3: memref<16384xi32, #tpu.memory_space<hbm>>, %arg4: memref<1024xf32, #tpu.memory_space<hbm>>, %arg5: memref<16384xf32, #tpu.memory_space<vmem>>, %arg6: memref<16384xi32, #tpu.memory_space<vmem>>, %arg7: memref<64xf32, #tpu.memory_space<vmem>>, %arg8: memref<64xf32, #tpu.memory_space<vmem>>, %arg9: memref<64xf32, #tpu.memory_space<vmem>>) attributes {dimension_semantics = [#tpu.dimension_semantics<core_parallel>, #tpu.dimension_semantics<subcore_parallel>], iteration_bounds = array<i64: 1, 16>, scalar_prefetch = 0 : i64, scratch_operands = 5 : i64, tpu.core_type = #tpu.core_type<sc_vector_subcore>, window_params = [{transform_indices = #map}, {transform_indices = #map}, {transform_indices = #map}]} {
    %mul3A = arith.constant 64 : i32
    %mul3A_0 = arith.muli %arg1, %mul3A : i32
    "tpu.region"() ({
      %run_scoped3A = tpu.sem_alloc : memref<!tpu.dma_semaphore, #tpu.memory_space<semaphore_mem>>
      tpu.enqueue_dma source(%arg2 : memref<16384xf32, #tpu.memory_space<hbm>>) target(%arg5 : memref<16384xf32, #tpu.memory_space<vmem>>) target_semaphore(%run_scoped3A : memref<!tpu.dma_semaphore, #tpu.memory_space<semaphore_mem>>)
      tpu.wait_dma2 semaphore(%run_scoped3A : memref<!tpu.dma_semaphore, #tpu.memory_space<semaphore_mem>>) src(%arg2 : memref<16384xf32, #tpu.memory_space<hbm>>) dst(%arg5 : memref<16384xf32, #tpu.memory_space<vmem>>)
      tpu.yield
    }) : () -> ()
    "tpu.region"() ({
      %run_scoped3A = tpu.sem_alloc : memref<!tpu.dma_semaphore, #tpu.memory_space<semaphore_mem>>
      tpu.enqueue_dma source(%arg3 : memref<16384xi32, #tpu.memory_space<hbm>>) target(%arg6 : memref<16384xi32, #tpu.memory_space<vmem>>) target_semaphore(%run_scoped3A : memref<!tpu.dma_semaphore, #tpu.memory_space<semaphore_mem>>)
      tpu.wait_dma2 semaphore(%run_scoped3A : memref<!tpu.dma_semaphore, #tpu.memory_space<semaphore_mem>>) src(%arg3 : memref<16384xi32, #tpu.memory_space<hbm>>) dst(%arg6 : memref<16384xi32, #tpu.memory_space<vmem>>)
      tpu.yield
    }) : () -> ()
    %broadcast_in_dim3A = arith.constant 0.000000e+00 : f32
    %broadcast_in_dim3A_1 = vector.broadcast %broadcast_in_dim3A : f32 to vector<16xf32>
    %broadcast_in_dim3A_2 = arith.constant 1.000000e+00 : f32
    %broadcast_in_dim3A_3 = vector.broadcast %broadcast_in_dim3A_2 : f32 to vector<16xf32>
    %swap3A = arith.constant 0 : index
    %swap3A_4 = tpu.vector_load %arg7[%swap3A] {strides = array<i32>} : memref<64xf32, #tpu.memory_space<vmem>>, vector<16xf32>,
    tpu.vector_store %arg7[%swap3A], %broadcast_in_dim3A_1 {strides = array<i32>} : memref<64xf32, #tpu.memory_space<vmem>>, vector<16xf32>,
    %swap3A_5 = arith.constant 0 : index
    %swap3A_6 = tpu.vector_load %arg8[%swap3A_5] {strides = array<i32>} : memref<64xf32, #tpu.memory_space<vmem>>, vector<16xf32>,
    tpu.vector_store %arg8[%swap3A_5], %broadcast_in_dim3A_1 {strides = array<i32>} : memref<64xf32, #tpu.memory_space<vmem>>, vector<16xf32>,
    %swap3A_7 = arith.constant 16 : index
    %swap3A_8 = tpu.vector_load %arg7[%swap3A_7] {strides = array<i32>} : memref<64xf32, #tpu.memory_space<vmem>>, vector<16xf32>,
    tpu.vector_store %arg7[%swap3A_7], %broadcast_in_dim3A_1 {strides = array<i32>} : memref<64xf32, #tpu.memory_space<vmem>>, vector<16xf32>,
    %swap3A_9 = arith.constant 16 : index
    %swap3A_10 = tpu.vector_load %arg8[%swap3A_9] {strides = array<i32>} : memref<64xf32, #tpu.memory_space<vmem>>, vector<16xf32>,
    tpu.vector_store %arg8[%swap3A_9], %broadcast_in_dim3A_1 {strides = array<i32>} : memref<64xf32, #tpu.memory_space<vmem>>, vector<16xf32>,
    %swap3A_11 = arith.constant 32 : index
    %swap3A_12 = tpu.vector_load %arg7[%swap3A_11] {strides = array<i32>} : memref<64xf32, #tpu.memory_space<vmem>>, vector<16xf32>,
    tpu.vector_store %arg7[%swap3A_11], %broadcast_in_dim3A_1 {strides = array<i32>} : memref<64xf32, #tpu.memory_space<vmem>>, vector<16xf32>,
    %swap3A_13 = arith.constant 32 : index
    %swap3A_14 = tpu.vector_load %arg8[%swap3A_13] {strides = array<i32>} : memref<64xf32, #tpu.memory_space<vmem>>, vector<16xf32>,
    tpu.vector_store %arg8[%swap3A_13], %broadcast_in_dim3A_1 {strides = array<i32>} : memref<64xf32, #tpu.memory_space<vmem>>, vector<16xf32>,
    %swap3A_15 = arith.constant 48 : index
    %swap3A_16 = tpu.vector_load %arg7[%swap3A_15] {strides = array<i32>} : memref<64xf32, #tpu.memory_space<vmem>>, vector<16xf32>,
    tpu.vector_store %arg7[%swap3A_15], %broadcast_in_dim3A_1 {strides = array<i32>} : memref<64xf32, #tpu.memory_space<vmem>>, vector<16xf32>,
    %swap3A_17 = arith.constant 48 : index
    %swap3A_18 = tpu.vector_load %arg8[%swap3A_17] {strides = array<i32>} : memref<64xf32, #tpu.memory_space<vmem>>, vector<16xf32>,
    tpu.vector_store %arg8[%swap3A_17], %broadcast_in_dim3A_1 {strides = array<i32>} : memref<64xf32, #tpu.memory_space<vmem>>, vector<16xf32>,
    %scan3A = arith.constant 0 : i32
    %scan3A_19 = arith.constant 0 : i32
    %scan3A_20 = arith.constant 256 : i32
    %scan3A_21 = arith.addi %scan3A_19, %scan3A_20 : i32
    %scan3A_22 = arith.constant 1 : i32
    scf.for %scan3A_50 = %scan3A_19 to %scan3A_21 step %scan3A_22  : i32 {
      %mul3A_51 = arith.constant 64 : i32
      %mul3A_52 = arith.muli %scan3A_50, %mul3A_51 : i32
      %add3A = arith.constant 0 : i32
      %add3A_53 = arith.addi %mul3A_52, %add3A : i32
      %get3A_54 = arith.index_cast %add3A_53 : i32 to index
      %get3A_55 = tpu.vector_load %arg6[%get3A_54] {strides = array<i32>} : memref<16384xi32, #tpu.memory_space<vmem>>, vector<16xi32>,
      %add3A_56 = arith.constant 0 : i32
      %add3A_57 = arith.addi %mul3A_52, %add3A_56 : i32
      %get3A_58 = arith.index_cast %add3A_57 : i32 to index
      %get3A_59 = tpu.vector_load %arg5[%get3A_58] {strides = array<i32>} : memref<16384xf32, #tpu.memory_space<vmem>>, vector<16xf32>,
      %sub3A = vector.broadcast %mul3A_0 : i32 to vector<16xi32>
      %sub3A_60 = arith.subi %get3A_55, %sub3A : vector<16xi32>
      %ge3A = arith.constant 0 : i32
      %ge3A_61 = vector.broadcast %ge3A : i32 to vector<16xi32>
      %ge3A_62 = arith.cmpi sge, %sub3A_60, %ge3A_61 : vector<16xi32>
      %lt3A = arith.constant 64 : i32
      %lt3A_63 = vector.broadcast %lt3A : i32 to vector<16xi32>
      %lt3A_64 = arith.cmpi slt, %sub3A_60, %lt3A_63 : vector<16xi32>
      %and3A = arith.andi %ge3A_62, %lt3A_64 : vector<16xi1>
      %jit3A = arith.constant 0 : i32
      %jit3A_65 = arith.constant 63 : i32
      %max3A = vector.broadcast %jit3A : i32 to vector<16xi32>
      %max3A_66 = arith.maxsi %max3A, %sub3A_60 : vector<16xi32>
      %min3A = vector.broadcast %jit3A_65 : i32 to vector<16xi32>
      %min3A_67 = arith.minsi %min3A, %max3A_66 : vector<16xi32>
      tpu.vector_store_idx %arg7[%min3A_67], %get3A_59 masked %and3A {add = true} : memref<64xf32, #tpu.memory_space<vmem>>[vector<16xi32>], vector<16xf32>, vector<16xi1>
      tpu.vector_store_idx %arg8[%min3A_67], %broadcast_in_dim3A_3 masked %and3A {add = true} : memref<64xf32, #tpu.memory_space<vmem>>[vector<16xi32>], vector<16xf32>, vector<16xi1>
      %add3A_68 = arith.constant 16 : i32
      %add3A_69 = arith.addi %mul3A_52, %add3A_68 : i32
      %get3A_70 = arith.index_cast %add3A_69 : i32 to index
      %get3A_71 = tpu.vector_load %arg6[%get3A_70] {strides = array<i32>} : memref<16384xi32, #tpu.memory_space<vmem>>, vector<16xi32>,
      %add3A_72 = arith.constant 16 : i32
      %add3A_73 = arith.addi %mul3A_52, %add3A_72 : i32
      %get3A_74 = arith.index_cast %add3A_73 : i32 to index
      %get3A_75 = tpu.vector_load %arg5[%get3A_74] {strides = array<i32>} : memref<16384xf32, #tpu.memory_space<vmem>>, vector<16xf32>,
      %sub3A_76 = vector.broadcast %mul3A_0 : i32 to vector<16xi32>
      %sub3A_77 = arith.subi %get3A_71, %sub3A_76 : vector<16xi32>
      %ge3A_78 = arith.constant 0 : i32
      %ge3A_79 = vector.broadcast %ge3A_78 : i32 to vector<16xi32>
      %ge3A_80 = arith.cmpi sge, %sub3A_77, %ge3A_79 : vector<16xi32>
      %lt3A_81 = arith.constant 64 : i32
      %lt3A_82 = vector.broadcast %lt3A_81 : i32 to vector<16xi32>
      %lt3A_83 = arith.cmpi slt, %sub3A_77, %lt3A_82 : vector<16xi32>
      %and3A_84 = arith.andi %ge3A_80, %lt3A_83 : vector<16xi1>
      %jit3A_85 = arith.constant 0 : i32
      %jit3A_86 = arith.constant 63 : i32
      %max3A_87 = vector.broadcast %jit3A_85 : i32 to vector<16xi32>
      %max3A_88 = arith.maxsi %max3A_87, %sub3A_77 : vector<16xi32>
      %min3A_89 = vector.broadcast %jit3A_86 : i32 to vector<16xi32>
      %min3A_90 = arith.minsi %min3A_89, %max3A_88 : vector<16xi32>
      tpu.vector_store_idx %arg7[%min3A_90], %get3A_75 masked %and3A_84 {add = true} : memref<64xf32, #tpu.memory_space<vmem>>[vector<16xi32>], vector<16xf32>, vector<16xi1>
      tpu.vector_store_idx %arg8[%min3A_90], %broadcast_in_dim3A_3 masked %and3A_84 {add = true} : memref<64xf32, #tpu.memory_space<vmem>>[vector<16xi32>], vector<16xf32>, vector<16xi1>
      %add3A_91 = arith.constant 32 : i32
      %add3A_92 = arith.addi %mul3A_52, %add3A_91 : i32
      %get3A_93 = arith.index_cast %add3A_92 : i32 to index
      %get3A_94 = tpu.vector_load %arg6[%get3A_93] {strides = array<i32>} : memref<16384xi32, #tpu.memory_space<vmem>>, vector<16xi32>,
      %add3A_95 = arith.constant 32 : i32
      %add3A_96 = arith.addi %mul3A_52, %add3A_95 : i32
      %get3A_97 = arith.index_cast %add3A_96 : i32 to index
      %get3A_98 = tpu.vector_load %arg5[%get3A_97] {strides = array<i32>} : memref<16384xf32, #tpu.memory_space<vmem>>, vector<16xf32>,
      %sub3A_99 = vector.broadcast %mul3A_0 : i32 to vector<16xi32>
      %sub3A_100 = arith.subi %get3A_94, %sub3A_99 : vector<16xi32>
      %ge3A_101 = arith.constant 0 : i32
      %ge3A_102 = vector.broadcast %ge3A_101 : i32 to vector<16xi32>
      %ge3A_103 = arith.cmpi sge, %sub3A_100, %ge3A_102 : vector<16xi32>
      %lt3A_104 = arith.constant 64 : i32
      %lt3A_105 = vector.broadcast %lt3A_104 : i32 to vector<16xi32>
      %lt3A_106 = arith.cmpi slt, %sub3A_100, %lt3A_105 : vector<16xi32>
      %and3A_107 = arith.andi %ge3A_103, %lt3A_106 : vector<16xi1>
      %jit3A_108 = arith.constant 0 : i32
      %jit3A_109 = arith.constant 63 : i32
      %max3A_110 = vector.broadcast %jit3A_108 : i32 to vector<16xi32>
      %max3A_111 = arith.maxsi %max3A_110, %sub3A_100 : vector<16xi32>
      %min3A_112 = vector.broadcast %jit3A_109 : i32 to vector<16xi32>
      %min3A_113 = arith.minsi %min3A_112, %max3A_111 : vector<16xi32>
      tpu.vector_store_idx %arg7[%min3A_113], %get3A_98 masked %and3A_107 {add = true} : memref<64xf32, #tpu.memory_space<vmem>>[vector<16xi32>], vector<16xf32>, vector<16xi1>
      tpu.vector_store_idx %arg8[%min3A_113], %broadcast_in_dim3A_3 masked %and3A_107 {add = true} : memref<64xf32, #tpu.memory_space<vmem>>[vector<16xi32>], vector<16xf32>, vector<16xi1>
      %add3A_114 = arith.constant 48 : i32
      %add3A_115 = arith.addi %mul3A_52, %add3A_114 : i32
      %get3A_116 = arith.index_cast %add3A_115 : i32 to index
      %get3A_117 = tpu.vector_load %arg6[%get3A_116] {strides = array<i32>} : memref<16384xi32, #tpu.memory_space<vmem>>, vector<16xi32>,
      %add3A_118 = arith.constant 48 : i32
      %add3A_119 = arith.addi %mul3A_52, %add3A_118 : i32
      %get3A_120 = arith.index_cast %add3A_119 : i32 to index
      %get3A_121 = tpu.vector_load %arg5[%get3A_120] {strides = array<i32>} : memref<16384xf32, #tpu.memory_space<vmem>>, vector<16xf32>,
      %sub3A_122 = vector.broadcast %mul3A_0 : i32 to vector<16xi32>
      %sub3A_123 = arith.subi %get3A_117, %sub3A_122 : vector<16xi32>
      %ge3A_124 = arith.constant 0 : i32
      %ge3A_125 = vector.broadcast %ge3A_124 : i32 to vector<16xi32>
      %ge3A_126 = arith.cmpi sge, %sub3A_123, %ge3A_125 : vector<16xi32>
      %lt3A_127 = arith.constant 64 : i32
      %lt3A_128 = vector.broadcast %lt3A_127 : i32 to vector<16xi32>
      %lt3A_129 = arith.cmpi slt, %sub3A_123, %lt3A_128 : vector<16xi32>
      %and3A_130 = arith.andi %ge3A_126, %lt3A_129 : vector<16xi1>
      %jit3A_131 = arith.constant 0 : i32
      %jit3A_132 = arith.constant 63 : i32
      %max3A_133 = vector.broadcast %jit3A_131 : i32 to vector<16xi32>
      %max3A_134 = arith.maxsi %max3A_133, %sub3A_123 : vector<16xi32>
      %min3A_135 = vector.broadcast %jit3A_132 : i32 to vector<16xi32>
      %min3A_136 = arith.minsi %min3A_135, %max3A_134 : vector<16xi32>
      tpu.vector_store_idx %arg7[%min3A_136], %get3A_121 masked %and3A_130 {add = true} : memref<64xf32, #tpu.memory_space<vmem>>[vector<16xi32>], vector<16xf32>, vector<16xi1>
      tpu.vector_store_idx %arg8[%min3A_136], %broadcast_in_dim3A_3 masked %and3A_130 {add = true} : memref<64xf32, #tpu.memory_space<vmem>>[vector<16xi32>], vector<16xf32>, vector<16xi1>
    }
    %scan3A_23 = arith.constant 256 : i32
    %get3A = arith.constant 0 : index
    %get3A_24 = tpu.vector_load %arg7[%get3A] {strides = array<i32>} : memref<64xf32, #tpu.memory_space<vmem>>, vector<16xf32>,
    %get3A_25 = arith.constant 0 : index
    %get3A_26 = tpu.vector_load %arg8[%get3A_25] {strides = array<i32>} : memref<64xf32, #tpu.memory_space<vmem>>, vector<16xf32>,
    %div3A = arith.divf %get3A_24, %get3A_26 : vector<16xf32>
    %swap3A_27 = arith.constant 0 : index
    %swap3A_28 = tpu.vector_load %arg9[%swap3A_27] {strides = array<i32>} : memref<64xf32, #tpu.memory_space<vmem>>, vector<16xf32>,
    tpu.vector_store %arg9[%swap3A_27], %div3A {strides = array<i32>} : memref<64xf32, #tpu.memory_space<vmem>>, vector<16xf32>,
    %get3A_29 = arith.constant 16 : index
    %get3A_30 = tpu.vector_load %arg7[%get3A_29] {strides = array<i32>} : memref<64xf32, #tpu.memory_space<vmem>>, vector<16xf32>,
    %get3A_31 = arith.constant 16 : index
    %get3A_32 = tpu.vector_load %arg8[%get3A_31] {strides = array<i32>} : memref<64xf32, #tpu.memory_space<vmem>>, vector<16xf32>,
    %div3A_33 = arith.divf %get3A_30, %get3A_32 : vector<16xf32>
    %swap3A_34 = arith.constant 16 : index
    %swap3A_35 = tpu.vector_load %arg9[%swap3A_34] {strides = array<i32>} : memref<64xf32, #tpu.memory_space<vmem>>, vector<16xf32>,
    tpu.vector_store %arg9[%swap3A_34], %div3A_33 {strides = array<i32>} : memref<64xf32, #tpu.memory_space<vmem>>, vector<16xf32>,
    %get3A_36 = arith.constant 32 : index
    %get3A_37 = tpu.vector_load %arg7[%get3A_36] {strides = array<i32>} : memref<64xf32, #tpu.memory_space<vmem>>, vector<16xf32>,
    %get3A_38 = arith.constant 32 : index
    %get3A_39 = tpu.vector_load %arg8[%get3A_38] {strides = array<i32>} : memref<64xf32, #tpu.memory_space<vmem>>, vector<16xf32>,
    %div3A_40 = arith.divf %get3A_37, %get3A_39 : vector<16xf32>
    %swap3A_41 = arith.constant 32 : index
    %swap3A_42 = tpu.vector_load %arg9[%swap3A_41] {strides = array<i32>} : memref<64xf32, #tpu.memory_space<vmem>>, vector<16xf32>,
    tpu.vector_store %arg9[%swap3A_41], %div3A_40 {strides = array<i32>} : memref<64xf32, #tpu.memory_space<vmem>>, vector<16xf32>,
    %get3A_43 = arith.constant 48 : index
    %get3A_44 = tpu.vector_load %arg7[%get3A_43] {strides = array<i32>} : memref<64xf32, #tpu.memory_space<vmem>>, vector<16xf32>,
    %get3A_45 = arith.constant 48 : index
    %get3A_46 = tpu.vector_load %arg8[%get3A_45] {strides = array<i32>} : memref<64xf32, #tpu.memory_space<vmem>>, vector<16xf32>,
    %div3A_47 = arith.divf %get3A_44, %get3A_46 : vector<16xf32>
    %swap3A_48 = arith.constant 48 : index
    %swap3A_49 = tpu.vector_load %arg9[%swap3A_48] {strides = array<i32>} : memref<64xf32, #tpu.memory_space<vmem>>, vector<16xf32>,
    tpu.vector_store %arg9[%swap3A_48], %div3A_47 {strides = array<i32>} : memref<64xf32, #tpu.memory_space<vmem>>, vector<16xf32>,
    "tpu.region"() ({
      %run_scoped3A = tpu.sem_alloc : memref<!tpu.dma_semaphore, #tpu.memory_space<semaphore_mem>>
      %dma_start3A = tpu.memref_slice %arg4[%mul3A_0] : memref<1024xf32, #tpu.memory_space<hbm>> -> memref<64xf32, #tpu.memory_space<hbm>>
      %dma_start3A_50 = tpu.memref_slice %arg4[%mul3A_0] : memref<1024xf32, #tpu.memory_space<hbm>> -> memref<64xf32, #tpu.memory_space<hbm>>
      tpu.enqueue_dma source(%arg9 : memref<64xf32, #tpu.memory_space<vmem>>) target(%dma_start3A_50 : memref<64xf32, #tpu.memory_space<hbm>>) target_semaphore(%run_scoped3A : memref<!tpu.dma_semaphore, #tpu.memory_space<semaphore_mem>>)
      %dma_wait3A = tpu.memref_slice %arg4[%mul3A_0] : memref<1024xf32, #tpu.memory_space<hbm>> -> memref<64xf32, #tpu.memory_space<hbm>>
      %dma_wait3A_51 = tpu.memref_slice %arg4[%mul3A_0] : memref<1024xf32, #tpu.memory_space<hbm>> -> memref<64xf32, #tpu.memory_space<hbm>>
      tpu.wait_dma2 semaphore(%run_scoped3A : memref<!tpu.dma_semaphore, #tpu.memory_space<semaphore_mem>>) src(%arg9 : memref<64xf32, #tpu.memory_space<vmem>>) dst(%dma_wait3A_51 : memref<64xf32, #tpu.memory_space<hbm>>)
      tpu.yield
    }) : () -> ()
    return
  }
}

module attributes {stable_mosaic.version = 14 : i64} {
  func.func @_row_stats(%arg0: i32, %arg1: memref<1024x1000xf32, #tpu.memory_space<vmem>>, %arg2: memref<1024x1000xf32, #tpu.memory_space<vmem>>, %arg3: memref<1024xf32, #tpu.memory_space<vmem>>, %arg4: memref<1024xi32, #tpu.memory_space<vmem>>) attributes {dimension_semantics = [#tpu.dimension_semantics<arbitrary>], iteration_bounds = array<i64: 16>, scalar_prefetch = 0 : i64, scratch_operands = 0 : i64, tpu.core_type = #tpu.core_type<tc>, window_params = [{transform_indices = @transform_0, window_bounds = array<i64: 1024, 1000>}, {transform_indices = @transform_1, window_bounds = array<i64: 1024, 1000>}, {transform_indices = @transform_2, window_bounds = array<i64: 1024>}, {transform_indices = @transform_3, window_bounds = array<i64: 1024>}]} {
    %get3A = arith.constant 0 : index
    %get3A_0 = arith.constant 0 : index
    %get3A_1 = vector.load %arg1[%get3A, %get3A_0] : memref<1024x1000xf32, #tpu.memory_space<vmem>>, vector<1024x1000xf32>
    %get3A_2 = arith.constant 0 : index
    %get3A_3 = arith.constant 0 : index
    %get3A_4 = vector.load %arg2[%get3A_2, %get3A_3] : memref<1024x1000xf32, #tpu.memory_space<vmem>>, vector<1024x1000xf32>
    %reduce_max3A = arith.constant dense<0xFF800000> : vector<1024xf32>
    %reduce_max3A_5 = vector.multi_reduction <maximumf>, %get3A_1, %reduce_max3A [1] : vector<1024x1000xf32> to vector<1024xf32>
    %broadcast_in_dim3A = vector.shape_cast %reduce_max3A_5 : vector<1024xf32> to vector<1024x1xf32>
    %sub3A = vector.broadcast %broadcast_in_dim3A : vector<1024x1xf32> to vector<1024x1000xf32>
    %sub3A_6 = arith.subf %get3A_1, %sub3A : vector<1024x1000xf32>
    %exp3A = math.exp %sub3A_6 : vector<1024x1000xf32>
    %reduce_sum3A = arith.constant dense<0.000000e+00> : vector<1024xf32>
    %reduce_sum3A_7 = vector.multi_reduction <add>, %exp3A, %reduce_sum3A [1] : vector<1024x1000xf32> to vector<1024xf32>
    %broadcast_in_dim3A_8 = vector.shape_cast %reduce_sum3A_7 : vector<1024xf32> to vector<1024x1xf32>
    %log3A = math.log %broadcast_in_dim3A_8 : vector<1024x1xf32>
    %add3A = arith.addf %log3A, %broadcast_in_dim3A : vector<1024x1xf32>
    %mul3A = arith.mulf %get3A_4, %get3A_1 : vector<1024x1000xf32>
    %reduce_sum3A_9 = arith.constant dense<0.000000e+00> : vector<1024xf32>
    %reduce_sum3A_10 = vector.multi_reduction <add>, %mul3A, %reduce_sum3A_9 [1] : vector<1024x1000xf32> to vector<1024xf32>
    %broadcast_in_dim3A_11 = vector.shape_cast %reduce_sum3A_10 : vector<1024xf32> to vector<1024x1xf32>
    %reduce_sum3A_12 = arith.constant dense<0.000000e+00> : vector<1024xf32>
    %reduce_sum3A_13 = vector.multi_reduction <add>, %get3A_4, %reduce_sum3A_12 [1] : vector<1024x1000xf32> to vector<1024xf32>
    %broadcast_in_dim3A_14 = vector.shape_cast %reduce_sum3A_13 : vector<1024xf32> to vector<1024x1xf32>
    %mul3A_15 = arith.mulf %broadcast_in_dim3A_14, %add3A : vector<1024x1xf32>
    %sub3A_16 = arith.subf %mul3A_15, %broadcast_in_dim3A_11 : vector<1024x1xf32>
    %squeeze3A = vector.shape_cast %sub3A_16 : vector<1024x1xf32> to vector<1024xf32>
    %swap3A = arith.constant 0 : index
    %swap3A_17 = vector.load %arg3[%swap3A] : memref<1024xf32, #tpu.memory_space<vmem>>, vector<1024xf32>
    tpu.vector_store %arg3[%swap3A], %squeeze3A {strides = array<i32>} : memref<1024xf32, #tpu.memory_space<vmem>>, vector<1024xf32>,
    %reduce_max3A_18 = arith.constant dense<0xFF800000> : vector<1024xf32>
    %reduce_max3A_19 = vector.multi_reduction <maximumf>, %get3A_4, %reduce_max3A_18 [1] : vector<1024x1000xf32> to vector<1024xf32>
    %broadcast_in_dim3A_20 = vector.shape_cast %reduce_max3A_19 : vector<1024xf32> to vector<1024x1xf32>
    %iota3A = tpu.iota {dimensions = array<i32: 1>} : vector<1024x1000xi32>
    %eq3A = vector.broadcast %broadcast_in_dim3A_20 : vector<1024x1xf32> to vector<1024x1000xf32>
    %eq3A_21 = arith.cmpf oeq, %get3A_4, %eq3A : vector<1024x1000xf32>
    %jit3A = arith.constant 1073741824 : i32
    %broadcast_in_dim3A_22 = vector.broadcast %jit3A : i32 to vector<1024x1000xi32>
    %select_n3A = arith.select %eq3A_21, %iota3A, %broadcast_in_dim3A_22 : vector<1024x1000xi1>, vector<1024x1000xi32>
    %reduce_min3A = arith.constant dense<2147483647> : vector<1024xi32>
    %reduce_min3A_23 = vector.multi_reduction <minsi>, %select_n3A, %reduce_min3A [1] : vector<1024x1000xi32> to vector<1024xi32>
    %swap3A_24 = arith.constant 0 : index
    %swap3A_25 = vector.load %arg4[%swap3A_24] : memref<1024xi32, #tpu.memory_space<vmem>>, vector<1024xi32>
    tpu.vector_store %arg4[%swap3A_24], %reduce_min3A_23 {strides = array<i32>} : memref<1024xi32, #tpu.memory_space<vmem>>, vector<1024xi32>,
    return
  }
  func.func @transform_0(%arg0: i32) -> (i32, i32) {
    %c0_i32 = arith.constant 0 : i32
    %c0_i32_0 = arith.constant 0 : i32
    return %arg0, %c0_i32 : i32, i32
  }
  func.func @transform_1(%arg0: i32) -> (i32, i32) {
    %c0_i32 = arith.constant 0 : i32
    %c0_i32_0 = arith.constant 0 : i32
    return %arg0, %c0_i32 : i32, i32
  }
  func.func @transform_2(%arg0: i32) -> i32 {
    %c0_i32 = arith.constant 0 : i32
    return %arg0 : i32
  }
  func.func @transform_3(%arg0: i32) -> i32 {
    %c0_i32 = arith.constant 0 : i32
    return %arg0 : i32
  }
}

</mosaic_0001>

<sc_bundles>
// kernel: kernel.4.cloned.1.call-start
scs
__scs_entry_jumppad:
0x0: {  	(pc) =	sbr.rel $0x88, $3  }
0x1: {  	(tag) =	ssettag $0x0;
	lr =	simm.s32 $0x1  }
0x2: {  	[smem:$0x3F9F] =	sst lr;
	_ =	strace $0xD0000000  }
0x3: {  	_ = 	snop  }
0x4: {  	_ = 	snop  }
0x5: {  	_ = 	snop  }
0x6: {  	_ = 	snop  }
0x7: {  	_ = 	snop  }
__scs_overlays_trampoline_lowered:
0x8: {  	[smem:$0x3FAE] =	sst s0  }
0x9: {  	[smem:$0x3FAF] =	sst s1  }
0xa: {  	[smem:$0x3FB0] =	sst s2  }
0xb: {  	[smem:$0x3FB1] =	sst s3  }
0xc: {  	[smem:$0x3FB2] =	sst s4  }
0xd: {  	[smem:$0x3FB3] =	sst s5  }
0xe: {  	[smem:$0x3FB4] =	sst s6  }
0xf: {  	[smem:$0x3FB5] =	sst s7  }
0x10: {  	[smem:$0x3FB6] =	sst s8  }
0x11: {  	[smem:$0x3FB7] =	sst s9;
	s0 =	simm.s32 @!p0 $0x0  }
0x12: {  	s1 =	sld [smem:$0x3F9D];
	s0 =	simm.s32 @p0 $0x1  }
0x13: {  	[smem:$0x3FB8] =	sst s0;
	s0 =	simm.s32 @!p1 $0x0  }
0x14: {  	s2 =	sld [smem:$0x3F9C];
	s0 =	simm.s32 @p1 $0x1  }
0x15: {  	[smem:$0x3FB9] =	sst s0;
	s0 =	simm.s32 @!p2 $0x0  }
0x16: {  	s3 =	sld [smem:$0x3FDB];
	s0 =	simm.s32 @p2 $0x1  }
0x17: {  	s4 =	simm.s32 $0x1BF5;
	[smem:$0x3FBB] =	sst s0  }
0x18: {  	s0 =	sld [smem:$0x3F9E];
	_ =	swait.ge [sflag:s4], $0x0  }
0x19: {  	s7 =	sld [smem:$0x3F9F]  }
0x1a: {  	s8 =	sadd.s32 $0xFFFFE003, lr  }
0x1b: {  	s9 =	sadd.s32 $0xFFFFFEF7, lr;
	s5 =	simm.s32 $0xFFFFFFFF;
	p2 =	slt.u32 s8, $0xFFFFF086  }
0x1c: {  	p1 =	slt.u32 s9, $0xF7A;
	s5 =	simm.s32 @!p2 $0x0  }
0x1d: {  	s5 =	simm.s32 @p1 $0x1;
	p0 =	seq.s32 s7, s2  }
0x1e: {  	s7 =	smul.u32 @!p0 $0xF7A, s2;
	p2 =	seq.s32 @!p0 s5, $0x0  }
0x1f: {  	s9 =	smul.u32 $0xF7A, s1;
	s8 =	simm.s32 @!p0 $0x1BF5;
	p2 =	por !p2, p0  }
0x20: {  	[sflag:s8] =	ssyncset.s32 @!p0 $0xFFFFF086;
	s6 =	sadd.s32 @!p0 s3, s7;
	s7 =	simm.s32 @!p0 $0x108  }
0x21: {  	s3 =	sadd.s32 s3, s9;
	s6 =	sadd.s32 @!p0 $0x88, s6;
	s7 =	simm.s32 @p2 $0x1082  }
0x22: {  	[simem:s7], [sflag:s8] =	dma.local @!p0 [hbm:s6], $0xF7A  }
0x23: {  	s9 =	sor.u32 $0xD0000000, s2;
	s6 =	simm.s32 $0x108;
	_ =	swait.ge @!p0 [sflag:s8], $0x0  }
0x24: {  	s3 =	sadd.s32 $0x88, s3;
	s6 =	simm.s32 @!p1 $0x1082;
	[sflag:s4] =	ssyncset.s32 $0xFFFFF086  }
0x25: {  	[simem:s6], [sflag:s4] =	dma.local [hbm:s3], $0xF7A  }
0x26: {  	[smem:$0x3F9F] =	sst s1;
	(tag) =	ssettag s2;
	_ =	strace s9  }
0x27: {  	s1 =	sld [smem:$0x3FAF]  }
0x28: {  	s2 =	sld [smem:$0x3FB0]  }
0x29: {  	s4 =	sld [smem:$0x3FB2]  }
0x2a: {  	p0 =	seq.s32 s5, $0x0;
	s5 =	sld [smem:$0x3FB3]  }
0x2b: {  	s6 =	sld [smem:$0x3FB4]  }
0x2c: {  	s7 =	sld [smem:$0x3FB5]  }
0x2d: {  	s3 =	simm.s32 $0x108;
	s8 =	sld [smem:$0x3FB6]  }
0x2e: {  	s3 =	simm.s32 @!p0 $0x1082;
	s9 =	sld [smem:$0x3FB7]  }
0x2f: {  	lr =	sadd.s32 s0, s3;
	s0 =	sld [smem:$0x3FAE]  }
0x30: {  	s3 =	sld [smem:$0x3FB1]  }
0x31: {  	[smem:$0x3FBA] =	sst s10  }
0x32: {  	s10 =	sld [smem:$0x3FB8];
	_ =	sdelay $0x3  }
0x33: {  	p0 =	seq.s32 s10, $0x1;
	s10 =	sld [smem:$0x3FBA];
	_ =	sdelay $0x3  }
0x34: {  	[smem:$0x3FBA] =	sst s10  }
0x35: {  	s10 =	sld [smem:$0x3FB9];
	_ =	sdelay $0x3  }
0x36: {  	p1 =	seq.s32 s10, $0x1;
	s10 =	sld [smem:$0x3FBA];
	_ =	sdelay $0x3  }
0x37: {  	[smem:$0x3FBA] =	sst s10  }
0x38: {  	s10 =	sld [smem:$0x3FBB]  }
0x39: {  	_ = 	snop;
	(pc) =	sbr.ind lr, $3  }
0x3a: {  	_ = 	snop  }
0x3b: {  	_ = 	snop  }
0x3c: {  	p2 =	seq.s32 s10, $0x1;
	s10 =	sld [smem:$0x3FBA]  }
0x3d: {  	_ =	shalt  }
0x3e: {  	_ =	shalt  }
0x3f: {  	_ =	shalt  }
0x40: {  	_ =	shalt  }
0x41: {  	_ =	shalt  }
0x42: {  	_ =	shalt  }
0x43: {  	_ =	shalt  }
0x44: {  	_ =	shalt  }
0x45: {  	_ =	shalt  }
0x46: {  	_ =	shalt  }
0x47: {  	_ =	shalt  }
0x48: {  	_ =	shalt  }
0x49: {  	_ =	shalt  }
0x4a: {  	_ =	shalt  }
0x4b: {  	_ =	shalt  }
0x4c: {  	_ =	shalt  }
0x4d: {  	_ =	shalt  }
0x4e: {  	_ =	shalt  }
0x4f: {  	_ =	shalt  }
0x50: {  	_ =	shalt  }
0x51: {  	_ =	shalt  }
0x52: {  	_ =	shalt  }
0x53: {  	_ =	shalt  }
0x54: {  	_ =	shalt  }
0x55: {  	_ =	shalt  }
0x56: {  	_ =	shalt  }
0x57: {  	_ =	shalt  }
0x58: {  	_ =	shalt  }
0x59: {  	_ =	shalt  }
0x5a: {  	_ =	shalt  }
0x5b: {  	_ =	shalt  }
0x5c: {  	_ =	shalt  }
0x5d: {  	_ =	shalt  }
0x5e: {  	_ =	shalt  }
0x5f: {  	_ =	shalt  }
0x60: {  	_ =	shalt  }
0x61: {  	_ =	shalt  }
0x62: {  	_ =	shalt  }
0x63: {  	_ =	shalt  }
0x64: {  	_ =	shalt  }
0x65: {  	_ =	shalt  }
0x66: {  	_ =	shalt  }
0x67: {  	_ =	shalt  }
0x68: {  	_ =	shalt  }
0x69: {  	_ =	shalt  }
0x6a: {  	_ =	shalt  }
0x6b: {  	_ =	shalt  }
0x6c: {  	_ =	shalt  }
0x6d: {  	_ =	shalt  }
0x6e: {  	_ =	shalt  }
0x6f: {  	_ =	shalt  }
0x70: {  	_ =	shalt  }
0x71: {  	_ =	shalt  }
0x72: {  	_ =	shalt  }
0x73: {  	_ =	shalt  }
0x74: {  	_ =	shalt  }
0x75: {  	_ =	shalt  }
0x76: {  	_ =	shalt  }
0x77: {  	_ =	shalt  }
0x78: {  	_ =	shalt  }
0x79: {  	_ =	shalt  }
0x7a: {  	_ =	shalt  }
0x7b: {  	_ =	shalt  }
0x7c: {  	_ =	shalt  }
0x7d: {  	_ =	shalt  }
0x7e: {  	_ =	shalt  }
0x7f: {  	_ =	shalt  }
0x80: {  	_ =	shalt  }
0x81: {  	_ =	shalt  }
0x82: {  	_ =	shalt  }
0x83: {  	_ =	shalt  }
0x84: {  	_ =	shalt  }
0x85: {  	_ =	shalt  }
0x86: {  	_ =	shalt  }
0x87: {  	_ =	shalt  }
.Lfunc_end0:
.L_simem_size_0:
called_computation_lowered:
.L_overlay_start_0:
0x88: {  	s0 =	sld [smem:$0x3FD9]  }
0x89: {  	s1 =	sld [smem:$0x3FFE];
	_ =	sdelay $0x3  }
0x8a: {  	s0 =	sadd.s32 s1, s0  }
0x8b: {  	[smem:$0x3FC6] =	sst s0  }
0x8c: {  	_ = 	snop  }
0x8d: {  	s0 =	sld [smem:$0x3FD0];
	(tm) =	ssettm $0x1  }
0x8e: {  	s16 =	sld [smem:$0x3FFB];
	_ =	sdelay $0x3  }
0x8f: {  	_ =	strace s16  }
0x90: {  	s1 =	sld [smem:$0x3FFC];
	_ =	sdelay $0x3  }
0x91: {  	_ =	strace s1  }
0x92: {  	s1 =	sld [smem:$0x3FFD];
	_ =	sdelay $0x3  }
0x93: {  	_ =	strace s1  }
0x94: {  	_ =	strace $0x8FFFFFFF  }
0x95: {  	s17 =	sld [smem:$0x3FDB];
	_ =	sdelay $0x1  }
0x96: {  	s2 =	simm.s32 $_scs_section_size  }
0x97: {  	s3 =	simm.s32 $_size__tile_overlayer_lowered;
	s4 =	simm.s32 $_tile_overlayer_lowered  }
0x98: {  	s20 =	simm.s32 $0x1BFF;
	s19 =	sshll.u32 s4, $0x1;
	s1 =	sadd.s32 s2, s17  }
0x99: {  	s5 =	simm.s32 $0x0;
	s18 =	sshll.u32 s3, $0x1;
	s3 =	sadd.s32 s19, s1  }
0x9a: {  	[timem:s5], [sflag:s20] =	dma.local [hbm:s3], s18  }
0x9b: {  	_ =	swait.ge [sflag:s20], s18  }
0x9c: {  	s2 =	ssub.s32 $0x0, s18;
	[sflag:s20] =	ssyncset.done $0x0  }
0x9d: {  	[sflag:s20] =	ssyncadd.s32 s2;
	_ =	sdelay $0x1  }
0x9e: {  	s21 =	simm.s32 $0x1B8B  }
0x9f: {  	_ =	swait.ge [sflag:s21], $0x1  }
0xa0: {  	[sflag:s21] =	ssyncset.done $0x0  }
0xa1: {  	s23 =	simm.s32 $0x1B8E;
	s22 =	sld [smem:$0x3FFE];
	[sflag:s21] =	ssyncadd.s32 $0xFFFFFFFF  }
0xa2: {  	s24 =	simm.s32 $execute0_lowered;
	[smem:$0x3FD2] =	sst s23  }
0xa3: {  	s3 =	sshll.u32 s24, $0x1;
	_ =	strace $0x80000046;
	[dreg:$0x1] =	wrdreg $0xFFFFFFFF  }
0xa4: {  	s25 =	simm.s32 $_size_execute0_lowered;
	s1 =	sadd.s32 s1, s3;
	[dreg:$0x0] =	wrdreg $0x0  }
0xa5: {  	s3 =	sshll.u32 s25, $0x1;
	[dreg:$0x2] =	wrdreg s1  }
0xa6: {  	[dreg:$0x3] =	wrdreg s3  }
0xa7: {  	[dreg:$0x4] =	wrdreg $0xC0  }
0xa8: {  	_ =	task [dreg:s5], $0x5FFFF  }
0xa9: {  	[dreg:$0x1] =	wrdreg $0xFFFFFFFF  }
0xaa: {  	[dreg:$0x0] =	wrdreg $0x60  }
0xab: {  	[dreg:$0x2] =	wrdreg s22  }
0xac: {  	[dreg:$0x3] =	wrdreg s0  }
0xad: {  	[dreg:$0x4] =	wrdreg $0x9  }
0xae: {  	_ =	task.clear_ibuf [dreg:s5], $0x5FFFF;
	_ =	strace $0x90000046  }
0xaf: {  	s26 =	simm.s32 $0x9;
	_ =	strace $0x80000048  }
0xb0: {  	_ =	swait.ge [sflag:s26], $0x1  }
0xb1: {  	[sflag:s26] =	ssyncadd.s32 $0xFFFFFFFF  }
0xb2: {  	_ =	strace $0x90000048  }
0xb3: {  	_ =	sfence  }
0xb4: {  	s28 =	sld [smem:$0x0];
	_ =	sdelay $0x1  }
0xb5: {  	s29 =	srdreg.scid  }
0xb6: {  	s30 =	sshll.u32 s29, $0xD;
	s31 =	sshrl.u32 s29, $0x2  }
0xb7: {  	s2 =	sand.u32 $0x4000, s30;
	s1 =	sand.u32 $0x1, s29;
	s0 =	sadd.s32 s31, s28  }
0xb8: {  	s1 =	sor.u32 s2, s1;
	s0 =	sshll.u32 s0, $0x11  }
0xb9: {  	s0 =	sor.u32 s0, s1  }
0xba: {  	s0 =	sadd.s32 $0x8F2B, s0  }
0xbb: {  	[sflag:s0] =	ssyncadd.remote.s32 $0x1  }
0xbc: {  	_ =	sfence.sel $0xFFFF  }
0xbd: {  	[dreg:$0x0] =	wrdreg $0xFFFFFFFF;
	(pc) =	sbr.abs _section_cstart, $3  }
0xbe: {  	[dreg:$0x1] =	wrdreg $0xFFFFFFFF  }
0xbf: {  	_ =	task.clear_ibuf [dreg:s5], $0x2FFFF;
	_ =	strace $0x9FFFFFFF  }
0xc0: {  	(tm) =	ssettm $0x7FFFFFFF  }
0xc1: {  	_ =	shalt  }
tec
execute0_lowered:
.L_overlay_start_1:
0x0: {  	(tag) =	ssettag $0x1  }
0x1: {  	s2 =	rddreg [dreg:$0x0]  }
0x2: {  	s1 =	rddreg [dreg:$0x1]  }
0x3: {  	s0 =	rddreg [dreg:$0x2];
	s3 =	simm.s32 $0x0  }
0x4: {  	[smem:$0x7FF] =	sst s3  }
0x5: {  	s30 =	simm.s32 $0x1;
	s4 =	sadd.s32 $0xA00, s2;
	_ =	strace $0x80000047  }
0x6: {  	[tilespmem:s3], [sflag:$0x1] =	stream.linear.gather [hbm4b:s4+s3], $0x4000, $0x38;
	[tilespmem:$0x8180] =	vst v63  }
0x7: {  	_ =	swait.ge [sflag:s30], $0x4000  }
0x8: {  	[sflag:s30] =	ssyncset.done $0x0  }
0x9: {  	s5 =	simm.s32 $0x4000;
	s2 =	sadd.s32 $0x1200, s2;
	[sflag:s30] =	ssyncadd.s32 $0xFFFFC000  }
0xa: {  	[tilespmem:s5], [sflag:$0x1] =	stream.linear.gather [hbm4b:s2+s3], $0x4000, $0x38;
	[tilespmem:$0x8180] =	vst v63  }
0xb: {  	_ =	swait.ge [sflag:s30], $0x4000  }
0xc: {  	[sflag:s30] =	ssyncset.done $0x0  }
0xd: {  	v1 =	vimm.f32 $0.0e+00;
	[sflag:s30] =	ssyncadd.s32 $0xFFFFC000  }
0xe: {  	[tilespmem:$0x8000] =	vst v1  }
0xf: {  	[tilespmem:$0x8080] =	vst v1  }
0x10: {  	[tilespmem:$0x8010] =	vst v1  }
0x11: {  	[tilespmem:$0x8090] =	vst v1  }
0x12: {  	[tilespmem:$0x8020] =	vst v1  }
0x13: {  	s2 =	stileid.u32;
	[tilespmem:$0x80A0] =	vst v1  }
0x14: {  	s31 =	sshll.u32 s2, $0x6;
	[tilespmem:$0x8030] =	vst v1  }
0x15: {  	s4 =	simm.s32 $0x8000;
	s5 =	simm.s32 $0x8080;
	v0 =	vmov s31;
	[tilespmem:$0x80B0] =	vst v1;
	v1 =	vimm.f32 $1.000000000e+00  }
.LBB2_1:
0x16: {  	s6 =	sshra.s32 s3, $0x2  }
0x17: {  	v2 =	vld [tilespmem:s6+$0x4000];
	_ =	sdelay $0x4  }
0x18: {  	v2 =	vsub.s32 v2, v0  }
0x19: {  	vm0 =	vgt.s32 v2, $0x0  }
0x1a: {  	vm1 =	vlt.u32 v2, $0x40;
	v2 =	vnsel vm0, $0x0, v2  }
0x1b: {  	v3 =	vld [tilespmem:s6+$0x0];
	v2 =	vmin.u32 v2, $0x3F;
	_ =	sdelay $0x4  }
0x1c: {  	[tilespmem:v2+s4+$0x0] =	vst.idx.add.f32.msk vm1, v3  }
0x1d: {  	[tilespmem:v2+s5+$0x0] =	vst.idx.add.f32.msk vm1, v1  }
0x1e: {  	v2 =	vld [tilespmem:s6+$0x4010];
	_ =	sdelay $0x4  }
0x1f: {  	v2 =	vsub.s32 v2, v0  }
0x20: {  	vm10 =	vgt.s32 v2, $0x0  }
0x21: {  	vm11 =	vlt.u32 v2, $0x40;
	v2 =	vnsel vm10, $0x0, v2  }
0x22: {  	v3 =	vld [tilespmem:s6+$0x10];
	v2 =	vmin.u32 v2, $0x3F;
	_ =	sdelay $0x4  }
0x23: {  	[tilespmem:v2+s4+$0x0] =	vst.idx.add.f32.msk vm11, v3  }
0x24: {  	[tilespmem:v2+s5+$0x0] =	vst.idx.add.f32.msk vm11, v1  }
0x25: {  	v2 =	vld [tilespmem:s6+$0x4020];
	_ =	sdelay $0x4  }
0x26: {  	v2 =	vsub.s32 v2, v0  }
0x27: {  	vm12 =	vgt.s32 v2, $0x0  }
0x28: {  	vm13 =	vlt.u32 v2, $0x40;
	v2 =	vnsel vm12, $0x0, v2  }
0x29: {  	v3 =	vld [tilespmem:s6+$0x20];
	v2 =	vmin.u32 v2, $0x3F;
	_ =	sdelay $0x4  }
0x2a: {  	[tilespmem:v2+s4+$0x0] =	vst.idx.add.f32.msk vm13, v3  }
0x2b: {  	[tilespmem:v2+s5+$0x0] =	vst.idx.add.f32.msk vm13, v1  }
0x2c: {  	v2 =	vld [tilespmem:s6+$0x4030];
	_ =	sdelay $0x4  }
0x2d: {  	v2 =	vsub.s32 v2, v0  }
0x2e: {  	vm14 =	vgt.s32 v2, $0x0  }
0x2f: {  	vm15 =	vlt.u32 v2, $0x40;
	v2 =	vnsel vm14, $0x0, v2  }
0x30: {  	v3 =	vld [tilespmem:s6+$0x30];
	v2 =	vmin.u32 v2, $0x3F  }
0x31: {  	p0 =	sne.s32 s3, $0xFF00  }
.Ltmp0:
0x32: {  	_ = 	snop;
	(pc) =	sbr.rel @p0 .LBB2_1-.Ltmp0, $3  }
0x33: {  	_ =	sdelay $0x1  }
0x34: {  	[tilespmem:v2+s4+$0x0] =	vst.idx.add.f32.msk vm15, v3  }
0x35: {  	s3 =	sadd.s32 $0x100, s3;
	[tilespmem:v2+s5+$0x0] =	vst.idx.add.f32.msk vm15, v1  }
0x36: {  	v0 =	vld [tilespmem:$0x8080]  }
0x37: {  	v1 =	vld [tilespmem:$0x8090]  }
0x38: {  	v2 =	vld [tilespmem:$0x80A0]  }
0x39: {  	v3 =	vld [tilespmem:$0x80B0];
	_ =	sdelay $0x1  }
0x3a: {  	(erf) = vrcp.f32 v0  }
0x3b: {  	(erf) = vrcp.f32 v1  }
0x3c: {  	(erf) = vrcp.f32 v2  }
0x3d: {  	(erf) = vrcp.f32 v3;
	_ =	sdelay $0x1  }
0x3e: {  	v56 =	vld [tilespmem:$0x8000]  }
0x3f: {  	v57 =	vld [tilespmem:$0x8010]  }
0x40: {  	v58 =	vld [tilespmem:$0x8020]  }
0x41: {  	v59 =	vld [tilespmem:$0x8030]  }
0x42: {  	v4 =	vpop (erf)  }
0x43: {  	v5 =	vpop (erf);
	v0 =	vmul.f32 v4, v56  }
0x44: {  	v60 =	vpop (erf);
	v1 =	vmul.f32 v5, v57  }
0x45: {  	[tilespmem:$0x8100] =	vst v0;
	v61 =	vmul.f32 v60, v58;
	v62 =	vpop (erf)  }
0x46: {  	[tilespmem:$0x8110] =	vst v1;
	v63 =	vmul.f32 v62, v59  }
0x47: {  	s3 =	sshll.u32 s2, $0x3;
	s30 =	simm.s32 $0x0;
	[tilespmem:$0x8120] =	vst v61  }
0x48: {  	s4 =	simm.s32 $0x8100;
	s31 =	simm.s32 $0x1;
	s1 =	sadd.s32 s1, s3;
	[tilespmem:$0x8130] =	vst v63  }
0x49: {  	[hbm4b:s1+s30] =	stream.linear.scatter [tilespmem:s4], [sflag:$0x1], $0x40, $0x38;
	[tilespmem:$0x8180] =	vst v63  }
0x4a: {  	_ =	swait.ge [sflag:s31], $0x40  }
0x4b: {  	[sflag:s31] =	ssyncset.done $0x0  }
0x4c: {  	[sflag:s31] =	ssyncadd.s32 $0xFFFFFFC0  }
0x4d: {  	_ =	sfence.sel $0x180000  }
0x4e: {  	[bflag:$0x0] =	sbarrier.arrive $0xFFFF  }
0x4f: {  	p0 =	sne.s32 s2, $0x0;
	_ =	strace $0x90000047  }
0x50: {  	s0 =	sadd.s32 @!p0 $0x100000, s0;
	[bflag:$0x2] =	sbarrier.arrive $0xFFFF  }
0x51: {  	[sflag:s0] =	ssyncadd.tile.s32 @!p0 $0x1;
	_ =	shalt  }
.Lfunc_end2:
_tile_overlayer_lowered:
.L_overlay_start_2:
0x52: {  	(tag) =	ssettag $0x2  }
0x53: {  	s0 =	rddreg [dreg:$0x0];
	s2 =	stileid.u32  }
0x54: {  	s1 =	rddreg [dreg:$0x1];
	p0 =	sne.s32 s2, $0x0  }
0x55: {  	s3 =	rddreg [dreg:$0x2];
	[bflag:$0x3] =	sbarrier.arrive $0xFFFF;
	s2 =	simm.s32 @!p0 $0x1C01  }
0x56: {  	[timem:s3], [sflag:s2] =	dma.local @!p0 [hbm:s0], s1  }
0x57: {  	s0 =	simm.s32 @!p0 $0x1  }
0x58: {  	_ =	swait.ge @!p0 [sflag:s0], s1  }
0x59: {  	s1 =	ssub.s32 @!p0 $0x0, s1;
	[sflag:s0] =	ssyncset.done @!p0 $0x0  }
0x5a: {  	[sflag:s0] =	ssyncadd.s32 @!p0 s1  }
0x5b: {  	[bflag:$0x3] =	sbarrier.arrive $0xFFFF  }
0x5c: {  	_ =	shalt  }

</sc_bundles>
